<compile_context>
chip_gen: v7x
topology: tpu7x:2x2x1
jax: 0.10.2.dev20260603
libtpu: 0.0.44.dev20260713+nightly
codegen_flags: <defaults>
</compile_context>

<pallas_src>
import functools

import jax
import jax.numpy as jnp
from jax import lax
from jax.experimental import pallas as pl
from jax.experimental.pallas import tpu as pltpu
from jax.experimental.pallas import tpu_sc as plsc

COMMIT_W = 0.25
N = 16384
K = 1024
D = 64

BLK = 2048
NB = N // BLK

NC, NS = 2, 16
NW = NC * NS
RPW = N // NW
CH = 128
NCH = RPW // CH


def _dist_argmin_body(x_ref, cb_ref, ids_ref, loss_ref):
    x = x_ref[...]
    cb = cb_ref[...]
    cc = jnp.sum(cb * cb, axis=1, keepdims=True)
    xx = jnp.sum(x * x, axis=1, keepdims=True)
    sc2 = lax.dot_general(x * -2.0, cb, (((1,), (1,)), ((), ())),
                          preferred_element_type=jnp.float32)
    dist_r = xx + cc[:, 0][None, :] + sc2
    dist = lax.transpose(dist_r, (1, 0))
    minval = jnp.min(dist, axis=0, keepdims=True)
    iota = lax.broadcasted_iota(jnp.int32, (K, BLK), 0)
    ids = jnp.min(jnp.where(dist == minval, iota, K), axis=0)
    ids_ref[0, 0, :] = ids
    loss_ref[0, 0, :] = ((1.0 + COMMIT_W) * minval)[0, :]


def _dist_argmin(x, codebook):
    return pl.pallas_call(
        _dist_argmin_body,
        grid=(NB,),
        in_specs=[
            pl.BlockSpec((BLK, D), lambda i: (i, 0)),
            pl.BlockSpec((K, D), lambda i: (0, 0)),
        ],
        out_specs=[
            pl.BlockSpec((1, 1, BLK), lambda i: (i, 0, 0)),
            pl.BlockSpec((1, 1, BLK), lambda i: (i, 0, 0)),
        ],
        out_shape=[
            jax.ShapeDtypeStruct((NB, 1, BLK), jnp.int32),
            jax.ShapeDtypeStruct((NB, 1, BLK), jnp.float32),
        ],
        compiler_params=pltpu.CompilerParams(
            dimension_semantics=("arbitrary",)),
    )(x, codebook)


@functools.partial(
    pl.kernel,
    out_type=jax.ShapeDtypeStruct((N, D), jnp.float32),
    mesh=plsc.VectorSubcoreMesh(core_axis_name="c", subcore_axis_name="s"),
    scratch_types=[
        pltpu.VMEM((NCH, CH), jnp.int32),
        pltpu.VMEM((NCH, CH, D), jnp.float32),
        pltpu.SemaphoreType.DMA,
        pltpu.SemaphoreType.DMA,
        pltpu.SemaphoreType.DMA,
    ],
    compiler_params=pltpu.CompilerParams(use_tc_tiling_on_sc=False),
)
def _gather_sc(ids_hbm, cb_hbm, out_hbm, idx_v, rows_v, isem, gsem, wsem):
    wid = lax.axis_index("s") * NC + lax.axis_index("c")
    base = wid * RPW
    idescs = [
        pltpu.async_copy(ids_hbm.at[pl.ds(base + j * CH, CH)], idx_v.at[j],
                         isem)
        for j in range(NCH)
    ]
    gdescs = []
    for j in range(NCH):
        idescs[j].wait()
        gdescs.append(
            pltpu.async_copy(cb_hbm.at[idx_v.at[j]], rows_v.at[j], gsem))
    wdescs = []
    for j in range(NCH):
        gdescs[j].wait()
        wdescs.append(
            pltpu.async_copy(rows_v.at[j],
                             out_hbm.at[pl.ds(base + j * CH, CH)], wsem))
    for d in wdescs:
        d.wait()


def kernel(x, codebook):
    ids3, loss3 = _dist_argmin(x, codebook)
    ids = ids3.reshape(N)
    emb_out = _gather_sc(ids, codebook)
    return emb_out, ids, loss3.reshape(N)

# --- scband reference (transcript-rebuilt; emitter-appended) ---
"""Pipeline reference for scband-quantization-41446434406895 (READ-ONLY COPY).

The authoritative reference and input builder live on the scoring server;
editing this copy changes nothing except your own understanding.
"""

import jax, jax.numpy as jnp
import numpy as np

COMMITMENT_WEIGHT = 0.25
CODEBOOK_SIZE = 1024
LATENT_DIM = 64


def setup_inputs(seed: int = 0) -> dict:
    key = jax.random.key(seed)
    kx, kw = jax.random.split(key)
    x = jax.random.normal(kx, (16384, LATENT_DIM), dtype=jnp.float32)
    # nn.init.uniform_ -> U[0, 1)
    codebook = jax.random.uniform(kw, (CODEBOOK_SIZE, LATENT_DIM), dtype=jnp.float32)
    return {"x": x, "codebook": codebook}


def reference(x, codebook):
    # sim_vq=False -> out_proj is Identity, so get_codebook() == embedding.weight
    # L2 distance: ||x||^2 + ||c||^2 - 2 x c^T
    x_sq = jnp.sum(x ** 2, axis=1, keepdims=True)            # [N, 1]
    cb_sq = jnp.sum(codebook ** 2, axis=1, keepdims=True).T  # [1, K]
    dist = x_sq + cb_sq - 2.0 * (x @ codebook.T)             # [N, K]
    ids = jnp.argmin(jax.lax.stop_gradient(dist), axis=1)    # [N]
    # STE (training) path: emb = embedding(ids); emb_out = x + (emb - x).detach()
    emb = jnp.take(codebook, ids, axis=0)                    # gather [N, d]
    emb_out = x + jax.lax.stop_gradient(emb - x)
    # QuantizeLoss: emb_loss + commitment_weight * query_loss
    emb_loss = jnp.sum((jax.lax.stop_gradient(x) - emb) ** 2, axis=-1)
    query_loss = jnp.sum((x - jax.lax.stop_gradient(emb)) ** 2, axis=-1)
    loss = emb_loss + COMMITMENT_WEIGHT * query_loss
    return emb_out, ids, loss

if __name__ == "__main__":
    import jax
    _d = setup_inputs()
    print(jax.jit(kernel)(*tuple(_d.values())))

</pallas_src>

<mosaic_0001>
#map = affine_map<(d0, d1) -> (0)>
#map1 = affine_map<(d0, d1) -> (0, 0)>
module attributes {stable_mosaic.version = 14 : i64} {
  func.func @_gather_sc(%arg0: i32, %arg1: i32, %arg2: memref<16384xi32, #tpu.memory_space<hbm>>, %arg3: memref<1024x64xf32, #tpu.memory_space<hbm>>, %arg4: memref<16384x64xf32, #tpu.memory_space<hbm>>, %arg5: memref<4x128xi32, #tpu.memory_space<vmem>>, %arg6: memref<4x128x64xf32, #tpu.memory_space<vmem>>, %arg7: memref<!tpu.dma_semaphore, #tpu.memory_space<semaphore_mem>>, %arg8: memref<!tpu.dma_semaphore, #tpu.memory_space<semaphore_mem>>, %arg9: memref<!tpu.dma_semaphore, #tpu.memory_space<semaphore_mem>>) attributes {dimension_semantics = [#tpu.dimension_semantics<core_parallel>, #tpu.dimension_semantics<subcore_parallel>], iteration_bounds = array<i64: 2, 16>, scalar_prefetch = 0 : i64, scratch_operands = 5 : i64, tpu.core_type = #tpu.core_type<sc_vector_subcore>, window_params = [{transform_indices = #map}, {transform_indices = #map1}, {transform_indices = #map1}]} {
    %mul3A = arith.constant 2 : i32
    %mul3A_0 = arith.muli %arg1, %mul3A : i32
    %add3A = arith.addi %mul3A_0, %arg0 : i32
    %mul3A_1 = arith.constant 512 : i32
    %mul3A_2 = arith.muli %add3A, %mul3A_1 : i32
    %add3A_3 = arith.constant 0 : i32
    %add3A_4 = arith.addi %mul3A_2, %add3A_3 : i32
    %dma_start3A = arith.constant 0 : i32
    %dma_start3A_5 = arith.constant 0 : i32
    %dma_start3A_6 = tpu.memref_slice %arg5[%dma_start3A, %dma_start3A_5] : memref<4x128xi32, #tpu.memory_space<vmem>> -> memref<1x128xi32, #tpu.memory_space<vmem>>
    %dma_start3A_7 = tpu.memref_squeeze %dma_start3A_6 : memref<1x128xi32, #tpu.memory_space<vmem>> -> memref<128xi32, #tpu.memory_space<vmem>>
    %dma_start3A_8 = tpu.memref_slice %arg2[%add3A_4] : memref<16384xi32, #tpu.memory_space<hbm>> -> memref<128xi32, #tpu.memory_space<hbm>>
    %dma_start3A_9 = arith.constant 0 : i32
    %dma_start3A_10 = tpu.memref_slice %arg5[%dma_start3A, %dma_start3A_9] : memref<4x128xi32, #tpu.memory_space<vmem>> -> memref<1x128xi32, #tpu.memory_space<vmem>>
    %dma_start3A_11 = tpu.memref_squeeze %dma_start3A_10 : memref<1x128xi32, #tpu.memory_space<vmem>> -> memref<128xi32, #tpu.memory_space<vmem>>
    %dma_start3A_12 = tpu.memref_slice %arg2[%add3A_4] : memref<16384xi32, #tpu.memory_space<hbm>> -> memref<128xi32, #tpu.memory_space<hbm>>
    tpu.enqueue_dma source(%dma_start3A_12 : memref<128xi32, #tpu.memory_space<hbm>>) target(%dma_start3A_11 : memref<128xi32, #tpu.memory_space<vmem>>) target_semaphore(%arg7 : memref<!tpu.dma_semaphore, #tpu.memory_space<semaphore_mem>>)
    %add3A_13 = arith.constant 128 : i32
    %add3A_14 = arith.addi %mul3A_2, %add3A_13 : i32
    %dma_start3A_15 = arith.constant 1 : i32
    %dma_start3A_16 = arith.constant 0 : i32
    %dma_start3A_17 = tpu.memref_slice %arg5[%dma_start3A_15, %dma_start3A_16] : memref<4x128xi32, #tpu.memory_space<vmem>> -> memref<1x128xi32, #tpu.memory_space<vmem>>
    %dma_start3A_18 = tpu.memref_squeeze %dma_start3A_17 : memref<1x128xi32, #tpu.memory_space<vmem>> -> memref<128xi32, #tpu.memory_space<vmem>>
    %dma_start3A_19 = tpu.memref_slice %arg2[%add3A_14] : memref<16384xi32, #tpu.memory_space<hbm>> -> memref<128xi32, #tpu.memory_space<hbm>>
    %dma_start3A_20 = arith.constant 0 : i32
    %dma_start3A_21 = tpu.memref_slice %arg5[%dma_start3A_15, %dma_start3A_20] : memref<4x128xi32, #tpu.memory_space<vmem>> -> memref<1x128xi32, #tpu.memory_space<vmem>>
    %dma_start3A_22 = tpu.memref_squeeze %dma_start3A_21 : memref<1x128xi32, #tpu.memory_space<vmem>> -> memref<128xi32, #tpu.memory_space<vmem>>
    %dma_start3A_23 = tpu.memref_slice %arg2[%add3A_14] : memref<16384xi32, #tpu.memory_space<hbm>> -> memref<128xi32, #tpu.memory_space<hbm>>
    tpu.enqueue_dma source(%dma_start3A_23 : memref<128xi32, #tpu.memory_space<hbm>>) target(%dma_start3A_22 : memref<128xi32, #tpu.memory_space<vmem>>) target_semaphore(%arg7 : memref<!tpu.dma_semaphore, #tpu.memory_space<semaphore_mem>>)
    %add3A_24 = arith.constant 256 : i32
    %add3A_25 = arith.addi %mul3A_2, %add3A_24 : i32
    %dma_start3A_26 = arith.constant 2 : i32
    %dma_start3A_27 = arith.constant 0 : i32
    %dma_start3A_28 = tpu.memref_slice %arg5[%dma_start3A_26, %dma_start3A_27] : memref<4x128xi32, #tpu.memory_space<vmem>> -> memref<1x128xi32, #tpu.memory_space<vmem>>
    %dma_start3A_29 = tpu.memref_squeeze %dma_start3A_28 : memref<1x128xi32, #tpu.memory_space<vmem>> -> memref<128xi32, #tpu.memory_space<vmem>>
    %dma_start3A_30 = tpu.memref_slice %arg2[%add3A_25] : memref<16384xi32, #tpu.memory_space<hbm>> -> memref<128xi32, #tpu.memory_space<hbm>>
    %dma_start3A_31 = arith.constant 0 : i32
    %dma_start3A_32 = tpu.memref_slice %arg5[%dma_start3A_26, %dma_start3A_31] : memref<4x128xi32, #tpu.memory_space<vmem>> -> memref<1x128xi32, #tpu.memory_space<vmem>>
    %dma_start3A_33 = tpu.memref_squeeze %dma_start3A_32 : memref<1x128xi32, #tpu.memory_space<vmem>> -> memref<128xi32, #tpu.memory_space<vmem>>
    %dma_start3A_34 = tpu.memref_slice %arg2[%add3A_25] : memref<16384xi32, #tpu.memory_space<hbm>> -> memref<128xi32, #tpu.memory_space<hbm>>
    tpu.enqueue_dma source(%dma_start3A_34 : memref<128xi32, #tpu.memory_space<hbm>>) target(%dma_start3A_33 : memref<128xi32, #tpu.memory_space<vmem>>) target_semaphore(%arg7 : memref<!tpu.dma_semaphore, #tpu.memory_space<semaphore_mem>>)
    %add3A_35 = arith.constant 384 : i32
    %add3A_36 = arith.addi %mul3A_2, %add3A_35 : i32
    %dma_start3A_37 = arith.constant 3 : i32
    %dma_start3A_38 = arith.constant 0 : i32
    %dma_start3A_39 = tpu.memref_slice %arg5[%dma_start3A_37, %dma_start3A_38] : memref<4x128xi32, #tpu.memory_space<vmem>> -> memref<1x128xi32, #tpu.memory_space<vmem>>
    %dma_start3A_40 = tpu.memref_squeeze %dma_start3A_39 : memref<1x128xi32, #tpu.memory_space<vmem>> -> memref<128xi32, #tpu.memory_space<vmem>>
    %dma_start3A_41 = tpu.memref_slice %arg2[%add3A_36] : memref<16384xi32, #tpu.memory_space<hbm>> -> memref<128xi32, #tpu.memory_space<hbm>>
    %dma_start3A_42 = arith.constant 0 : i32
    %dma_start3A_43 = tpu.memref_slice %arg5[%dma_start3A_37, %dma_start3A_42] : memref<4x128xi32, #tpu.memory_space<vmem>> -> memref<1x128xi32, #tpu.memory_space<vmem>>
    %dma_start3A_44 = tpu.memref_squeeze %dma_start3A_43 : memref<1x128xi32, #tpu.memory_space<vmem>> -> memref<128xi32, #tpu.memory_space<vmem>>
    %dma_start3A_45 = tpu.memref_slice %arg2[%add3A_36] : memref<16384xi32, #tpu.memory_space<hbm>> -> memref<128xi32, #tpu.memory_space<hbm>>
    tpu.enqueue_dma source(%dma_start3A_45 : memref<128xi32, #tpu.memory_space<hbm>>) target(%dma_start3A_44 : memref<128xi32, #tpu.memory_space<vmem>>) target_semaphore(%arg7 : memref<!tpu.dma_semaphore, #tpu.memory_space<semaphore_mem>>)
    %dma_wait3A = arith.constant 0 : i32
    %dma_wait3A_46 = arith.constant 0 : i32
    %dma_wait3A_47 = tpu.memref_slice %arg5[%dma_wait3A, %dma_wait3A_46] : memref<4x128xi32, #tpu.memory_space<vmem>> -> memref<1x128xi32, #tpu.memory_space<vmem>>
    %dma_wait3A_48 = tpu.memref_squeeze %dma_wait3A_47 : memref<1x128xi32, #tpu.memory_space<vmem>> -> memref<128xi32, #tpu.memory_space<vmem>>
    %dma_wait3A_49 = tpu.memref_slice %arg2[%add3A_4] : memref<16384xi32, #tpu.memory_space<hbm>> -> memref<128xi32, #tpu.memory_space<hbm>>
    %dma_wait3A_50 = arith.constant 0 : i32
    %dma_wait3A_51 = tpu.memref_slice %arg5[%dma_wait3A, %dma_wait3A_50] : memref<4x128xi32, #tpu.memory_space<vmem>> -> memref<1x128xi32, #tpu.memory_space<vmem>>
    %dma_wait3A_52 = tpu.memref_squeeze %dma_wait3A_51 : memref<1x128xi32, #tpu.memory_space<vmem>> -> memref<128xi32, #tpu.memory_space<vmem>>
    %dma_wait3A_53 = tpu.memref_slice %arg2[%add3A_4] : memref<16384xi32, #tpu.memory_space<hbm>> -> memref<128xi32, #tpu.memory_space<hbm>>
    tpu.wait_dma2 semaphore(%arg7 : memref<!tpu.dma_semaphore, #tpu.memory_space<semaphore_mem>>) src(%dma_wait3A_53 : memref<128xi32, #tpu.memory_space<hbm>>) dst(%dma_wait3A_52 : memref<128xi32, #tpu.memory_space<vmem>>)
    %dma_start3A_54 = arith.constant 0 : i32
    %dma_start3A_55 = arith.constant 0 : i32
    %dma_start3A_56 = arith.constant 0 : i32
    %dma_start3A_57 = arith.constant 0 : i32
    %dma_start3A_58 = tpu.memref_slice %arg6[%dma_start3A_55, %dma_start3A_56, %dma_start3A_57] : memref<4x128x64xf32, #tpu.memory_space<vmem>> -> memref<1x128x64xf32, #tpu.memory_space<vmem>>
    %dma_start3A_59 = tpu.memref_squeeze %dma_start3A_58 : memref<1x128x64xf32, #tpu.memory_space<vmem>> -> memref<128x64xf32, #tpu.memory_space<vmem>>
    %dma_start3A_60 = arith.constant 0 : i32
    %dma_start3A_61 = tpu.memref_slice %arg5[%dma_start3A_54, %dma_start3A_60] : memref<4x128xi32, #tpu.memory_space<vmem>> -> memref<1x128xi32, #tpu.memory_space<vmem>>
    %dma_start3A_62 = tpu.memref_squeeze %dma_start3A_61 : memref<1x128xi32, #tpu.memory_space<vmem>> -> memref<128xi32, #tpu.memory_space<vmem>>
    %dma_start3A_63 = arith.constant 0 : i32
    %dma_start3A_64 = arith.constant 0 : i32
    %dma_start3A_65 = tpu.memref_slice %arg3[%dma_start3A_63, %dma_start3A_64] : memref<1024x64xf32, #tpu.memory_space<hbm>> -> memref<1024x64xf32, #tpu.memory_space<hbm>>
    tpu.enqueue_indirect_dma source(%dma_start3A_65 : memref<1024x64xf32, #tpu.memory_space<hbm>>) target(%dma_start3A_59 : memref<128x64xf32, #tpu.memory_space<vmem>>) offsets(%dma_start3A_62 : memref<128xi32, #tpu.memory_space<vmem>>) semaphore(%arg8 : memref<!tpu.dma_semaphore, #tpu.memory_space<semaphore_mem>>)
    %dma_wait3A_66 = arith.constant 1 : i32
    %dma_wait3A_67 = arith.constant 0 : i32
    %dma_wait3A_68 = tpu.memref_slice %arg5[%dma_wait3A_66, %dma_wait3A_67] : memref<4x128xi32, #tpu.memory_space<vmem>> -> memref<1x128xi32, #tpu.memory_space<vmem>>
    %dma_wait3A_69 = tpu.memref_squeeze %dma_wait3A_68 : memref<1x128xi32, #tpu.memory_space<vmem>> -> memref<128xi32, #tpu.memory_space<vmem>>
    %dma_wait3A_70 = tpu.memref_slice %arg2[%add3A_14] : memref<16384xi32, #tpu.memory_space<hbm>> -> memref<128xi32, #tpu.memory_space<hbm>>
    %dma_wait3A_71 = arith.constant 0 : i32
    %dma_wait3A_72 = tpu.memref_slice %arg5[%dma_wait3A_66, %dma_wait3A_71] : memref<4x128xi32, #tpu.memory_space<vmem>> -> memref<1x128xi32, #tpu.memory_space<vmem>>
    %dma_wait3A_73 = tpu.memref_squeeze %dma_wait3A_72 : memref<1x128xi32, #tpu.memory_space<vmem>> -> memref<128xi32, #tpu.memory_space<vmem>>
    %dma_wait3A_74 = tpu.memref_slice %arg2[%add3A_14] : memref<16384xi32, #tpu.memory_space<hbm>> -> memref<128xi32, #tpu.memory_space<hbm>>
    tpu.wait_dma2 semaphore(%arg7 : memref<!tpu.dma_semaphore, #tpu.memory_space<semaphore_mem>>) src(%dma_wait3A_74 : memref<128xi32, #tpu.memory_space<hbm>>) dst(%dma_wait3A_73 : memref<128xi32, #tpu.memory_space<vmem>>)
    %dma_start3A_75 = arith.constant 1 : i32
    %dma_start3A_76 = arith.constant 1 : i32
    %dma_start3A_77 = arith.constant 0 : i32
    %dma_start3A_78 = arith.constant 0 : i32
    %dma_start3A_79 = tpu.memref_slice %arg6[%dma_start3A_76, %dma_start3A_77, %dma_start3A_78] : memref<4x128x64xf32, #tpu.memory_space<vmem>> -> memref<1x128x64xf32, #tpu.memory_space<vmem>>
    %dma_start3A_80 = tpu.memref_squeeze %dma_start3A_79 : memref<1x128x64xf32, #tpu.memory_space<vmem>> -> memref<128x64xf32, #tpu.memory_space<vmem>>
    %dma_start3A_81 = arith.constant 0 : i32
    %dma_start3A_82 = tpu.memref_slice %arg5[%dma_start3A_75, %dma_start3A_81] : memref<4x128xi32, #tpu.memory_space<vmem>> -> memref<1x128xi32, #tpu.memory_space<vmem>>
    %dma_start3A_83 = tpu.memref_squeeze %dma_start3A_82 : memref<1x128xi32, #tpu.memory_space<vmem>> -> memref<128xi32, #tpu.memory_space<vmem>>
    %dma_start3A_84 = arith.constant 0 : i32
    %dma_start3A_85 = arith.constant 0 : i32
    %dma_start3A_86 = tpu.memref_slice %arg3[%dma_start3A_84, %dma_start3A_85] : memref<1024x64xf32, #tpu.memory_space<hbm>> -> memref<1024x64xf32, #tpu.memory_space<hbm>>
    tpu.enqueue_indirect_dma source(%dma_start3A_86 : memref<1024x64xf32, #tpu.memory_space<hbm>>) target(%dma_start3A_80 : memref<128x64xf32, #tpu.memory_space<vmem>>) offsets(%dma_start3A_83 : memref<128xi32, #tpu.memory_space<vmem>>) semaphore(%arg8 : memref<!tpu.dma_semaphore, #tpu.memory_space<semaphore_mem>>)
    %dma_wait3A_87 = arith.constant 2 : i32
    %dma_wait3A_88 = arith.constant 0 : i32
    %dma_wait3A_89 = tpu.memref_slice %arg5[%dma_wait3A_87, %dma_wait3A_88] : memref<4x128xi32, #tpu.memory_space<vmem>> -> memref<1x128xi32, #tpu.memory_space<vmem>>
    %dma_wait3A_90 = tpu.memref_squeeze %dma_wait3A_89 : memref<1x128xi32, #tpu.memory_space<vmem>> -> memref<128xi32, #tpu.memory_space<vmem>>
    %dma_wait3A_91 = tpu.memref_slice %arg2[%add3A_25] : memref<16384xi32, #tpu.memory_space<hbm>> -> memref<128xi32, #tpu.memory_space<hbm>>
    %dma_wait3A_92 = arith.constant 0 : i32
    %dma_wait3A_93 = tpu.memref_slice %arg5[%dma_wait3A_87, %dma_wait3A_92] : memref<4x128xi32, #tpu.memory_space<vmem>> -> memref<1x128xi32, #tpu.memory_space<vmem>>
    %dma_wait3A_94 = tpu.memref_squeeze %dma_wait3A_93 : memref<1x128xi32, #tpu.memory_space<vmem>> -> memref<128xi32, #tpu.memory_space<vmem>>
    %dma_wait3A_95 = tpu.memref_slice %arg2[%add3A_25] : memref<16384xi32, #tpu.memory_space<hbm>> -> memref<128xi32, #tpu.memory_space<hbm>>
    tpu.wait_dma2 semaphore(%arg7 : memref<!tpu.dma_semaphore, #tpu.memory_space<semaphore_mem>>) src(%dma_wait3A_95 : memref<128xi32, #tpu.memory_space<hbm>>) dst(%dma_wait3A_94 : memref<128xi32, #tpu.memory_space<vmem>>)
    %dma_start3A_96 = arith.constant 2 : i32
    %dma_start3A_97 = arith.constant 2 : i32
    %dma_start3A_98 = arith.constant 0 : i32
    %dma_start3A_99 = arith.constant 0 : i32
    %dma_start3A_100 = tpu.memref_slice %arg6[%dma_start3A_97, %dma_start3A_98, %dma_start3A_99] : memref<4x128x64xf32, #tpu.memory_space<vmem>> -> memref<1x128x64xf32, #tpu.memory_space<vmem>>
    %dma_start3A_101 = tpu.memref_squeeze %dma_start3A_100 : memref<1x128x64xf32, #tpu.memory_space<vmem>> -> memref<128x64xf32, #tpu.memory_space<vmem>>
    %dma_start3A_102 = arith.constant 0 : i32
    %dma_start3A_103 = tpu.memref_slice %arg5[%dma_start3A_96, %dma_start3A_102] : memref<4x128xi32, #tpu.memory_space<vmem>> -> memref<1x128xi32, #tpu.memory_space<vmem>>
    %dma_start3A_104 = tpu.memref_squeeze %dma_start3A_103 : memref<1x128xi32, #tpu.memory_space<vmem>> -> memref<128xi32, #tpu.memory_space<vmem>>
    %dma_start3A_105 = arith.constant 0 : i32
    %dma_start3A_106 = arith.constant 0 : i32
    %dma_start3A_107 = tpu.memref_slice %arg3[%dma_start3A_105, %dma_start3A_106] : memref<1024x64xf32, #tpu.memory_space<hbm>> -> memref<1024x64xf32, #tpu.memory_space<hbm>>
    tpu.enqueue_indirect_dma source(%dma_start3A_107 : memref<1024x64xf32, #tpu.memory_space<hbm>>) target(%dma_start3A_101 : memref<128x64xf32, #tpu.memory_space<vmem>>) offsets(%dma_start3A_104 : memref<128xi32, #tpu.memory_space<vmem>>) semaphore(%arg8 : memref<!tpu.dma_semaphore, #tpu.memory_space<semaphore_mem>>)
    %dma_wait3A_108 = arith.constant 3 : i32
    %dma_wait3A_109 = arith.constant 0 : i32
    %dma_wait3A_110 = tpu.memref_slice %arg5[%dma_wait3A_108, %dma_wait3A_109] : memref<4x128xi32, #tpu.memory_space<vmem>> -> memref<1x128xi32, #tpu.memory_space<vmem>>
    %dma_wait3A_111 = tpu.memref_squeeze %dma_wait3A_110 : memref<1x128xi32, #tpu.memory_space<vmem>> -> memref<128xi32, #tpu.memory_space<vmem>>
    %dma_wait3A_112 = tpu.memref_slice %arg2[%add3A_36] : memref<16384xi32, #tpu.memory_space<hbm>> -> memref<128xi32, #tpu.memory_space<hbm>>
    %dma_wait3A_113 = arith.constant 0 : i32
    %dma_wait3A_114 = tpu.memref_slice %arg5[%dma_wait3A_108, %dma_wait3A_113] : memref<4x128xi32, #tpu.memory_space<vmem>> -> memref<1x128xi32, #tpu.memory_space<vmem>>
    %dma_wait3A_115 = tpu.memref_squeeze %dma_wait3A_114 : memref<1x128xi32, #tpu.memory_space<vmem>> -> memref<128xi32, #tpu.memory_space<vmem>>
    %dma_wait3A_116 = tpu.memref_slice %arg2[%add3A_36] : memref<16384xi32, #tpu.memory_space<hbm>> -> memref<128xi32, #tpu.memory_space<hbm>>
    tpu.wait_dma2 semaphore(%arg7 : memref<!tpu.dma_semaphore, #tpu.memory_space<semaphore_mem>>) src(%dma_wait3A_116 : memref<128xi32, #tpu.memory_space<hbm>>) dst(%dma_wait3A_115 : memref<128xi32, #tpu.memory_space<vmem>>)
    %dma_start3A_117 = arith.constant 3 : i32
    %dma_start3A_118 = arith.constant 3 : i32
    %dma_start3A_119 = arith.constant 0 : i32
    %dma_start3A_120 = arith.constant 0 : i32
    %dma_start3A_121 = tpu.memref_slice %arg6[%dma_start3A_118, %dma_start3A_119, %dma_start3A_120] : memref<4x128x64xf32, #tpu.memory_space<vmem>> -> memref<1x128x64xf32, #tpu.memory_space<vmem>>
    %dma_start3A_122 = tpu.memref_squeeze %dma_start3A_121 : memref<1x128x64xf32, #tpu.memory_space<vmem>> -> memref<128x64xf32, #tpu.memory_space<vmem>>
    %dma_start3A_123 = arith.constant 0 : i32
    %dma_start3A_124 = tpu.memref_slice %arg5[%dma_start3A_117, %dma_start3A_123] : memref<4x128xi32, #tpu.memory_space<vmem>> -> memref<1x128xi32, #tpu.memory_space<vmem>>
    %dma_start3A_125 = tpu.memref_squeeze %dma_start3A_124 : memref<1x128xi32, #tpu.memory_space<vmem>> -> memref<128xi32, #tpu.memory_space<vmem>>
    %dma_start3A_126 = arith.constant 0 : i32
    %dma_start3A_127 = arith.constant 0 : i32
    %dma_start3A_128 = tpu.memref_slice %arg3[%dma_start3A_126, %dma_start3A_127] : memref<1024x64xf32, #tpu.memory_space<hbm>> -> memref<1024x64xf32, #tpu.memory_space<hbm>>
    tpu.enqueue_indirect_dma source(%dma_start3A_128 : memref<1024x64xf32, #tpu.memory_space<hbm>>) target(%dma_start3A_122 : memref<128x64xf32, #tpu.memory_space<vmem>>) offsets(%dma_start3A_125 : memref<128xi32, #tpu.memory_space<vmem>>) semaphore(%arg8 : memref<!tpu.dma_semaphore, #tpu.memory_space<semaphore_mem>>)
    %dma_wait3A_129 = arith.constant 0 : i32
    %dma_wait3A_130 = arith.constant 0 : i32
    %dma_wait3A_131 = arith.constant 0 : i32
    %dma_wait3A_132 = arith.constant 0 : i32
    %dma_wait3A_133 = tpu.memref_slice %arg6[%dma_wait3A_130, %dma_wait3A_131, %dma_wait3A_132] : memref<4x128x64xf32, #tpu.memory_space<vmem>> -> memref<1x128x64xf32, #tpu.memory_space<vmem>>
    %dma_wait3A_134 = tpu.memref_squeeze %dma_wait3A_133 : memref<1x128x64xf32, #tpu.memory_space<vmem>> -> memref<128x64xf32, #tpu.memory_space<vmem>>
    %dma_wait3A_135 = arith.constant 0 : i32
    %dma_wait3A_136 = tpu.memref_slice %arg5[%dma_wait3A_129, %dma_wait3A_135] : memref<4x128xi32, #tpu.memory_space<vmem>> -> memref<1x128xi32, #tpu.memory_space<vmem>>
    %dma_wait3A_137 = tpu.memref_squeeze %dma_wait3A_136 : memref<1x128xi32, #tpu.memory_space<vmem>> -> memref<128xi32, #tpu.memory_space<vmem>>
    %dma_wait3A_138 = arith.constant 0 : i32
    %dma_wait3A_139 = arith.constant 0 : i32
    %dma_wait3A_140 = tpu.memref_slice %arg3[%dma_wait3A_138, %dma_wait3A_139] : memref<1024x64xf32, #tpu.memory_space<hbm>> -> memref<1024x64xf32, #tpu.memory_space<hbm>>
    tpu.wait_indirect_dma semaphore(%arg8 : memref<!tpu.dma_semaphore, #tpu.memory_space<semaphore_mem>>) src(%dma_wait3A_140 : memref<1024x64xf32, #tpu.memory_space<hbm>>) dst(%dma_wait3A_134 : memref<128x64xf32, #tpu.memory_space<vmem>>)
    %add3A_141 = arith.constant 0 : i32
    %add3A_142 = arith.addi %mul3A_2, %add3A_141 : i32
    %dma_start3A_143 = arith.constant 0 : i32
    %dma_start3A_144 = arith.constant 0 : i32
    %dma_start3A_145 = arith.constant 0 : i32
    %dma_start3A_146 = tpu.memref_slice %arg6[%dma_start3A_143, %dma_start3A_144, %dma_start3A_145] : memref<4x128x64xf32, #tpu.memory_space<vmem>> -> memref<1x128x64xf32, #tpu.memory_space<vmem>>
    %dma_start3A_147 = tpu.memref_squeeze %dma_start3A_146 : memref<1x128x64xf32, #tpu.memory_space<vmem>> -> memref<128x64xf32, #tpu.memory_space<vmem>>
    %dma_start3A_148 = arith.constant 0 : i32
    %dma_start3A_149 = tpu.memref_slice %arg4[%add3A_142, %dma_start3A_148] : memref<16384x64xf32, #tpu.memory_space<hbm>> -> memref<128x64xf32, #tpu.memory_space<hbm>>
    %dma_start3A_150 = arith.constant 0 : i32
    %dma_start3A_151 = tpu.memref_slice %arg4[%add3A_142, %dma_start3A_150] : memref<16384x64xf32, #tpu.memory_space<hbm>> -> memref<128x64xf32, #tpu.memory_space<hbm>>
    %dma_start3A_152 = arith.constant 0 : i32
    %dma_start3A_153 = arith.constant 0 : i32
    %dma_start3A_154 = tpu.memref_slice %arg6[%dma_start3A_143, %dma_start3A_152, %dma_start3A_153] : memref<4x128x64xf32, #tpu.memory_space<vmem>> -> memref<1x128x64xf32, #tpu.memory_space<vmem>>
    %dma_start3A_155 = tpu.memref_squeeze %dma_start3A_154 : memref<1x128x64xf32, #tpu.memory_space<vmem>> -> memref<128x64xf32, #tpu.memory_space<vmem>>
    tpu.enqueue_dma source(%dma_start3A_155 : memref<128x64xf32, #tpu.memory_space<vmem>>) target(%dma_start3A_151 : memref<128x64xf32, #tpu.memory_space<hbm>>) target_semaphore(%arg9 : memref<!tpu.dma_semaphore, #tpu.memory_space<semaphore_mem>>)
    %dma_wait3A_156 = arith.constant 1 : i32
    %dma_wait3A_157 = arith.constant 1 : i32
    %dma_wait3A_158 = arith.constant 0 : i32
    %dma_wait3A_159 = arith.constant 0 : i32
    %dma_wait3A_160 = tpu.memref_slice %arg6[%dma_wait3A_157, %dma_wait3A_158, %dma_wait3A_159] : memref<4x128x64xf32, #tpu.memory_space<vmem>> -> memref<1x128x64xf32, #tpu.memory_space<vmem>>
    %dma_wait3A_161 = tpu.memref_squeeze %dma_wait3A_160 : memref<1x128x64xf32, #tpu.memory_space<vmem>> -> memref<128x64xf32, #tpu.memory_space<vmem>>
    %dma_wait3A_162 = arith.constant 0 : i32
    %dma_wait3A_163 = tpu.memref_slice %arg5[%dma_wait3A_156, %dma_wait3A_162] : memref<4x128xi32, #tpu.memory_space<vmem>> -> memref<1x128xi32, #tpu.memory_space<vmem>>
    %dma_wait3A_164 = tpu.memref_squeeze %dma_wait3A_163 : memref<1x128xi32, #tpu.memory_space<vmem>> -> memref<128xi32, #tpu.memory_space<vmem>>
    %dma_wait3A_165 = arith.constant 0 : i32
    %dma_wait3A_166 = arith.constant 0 : i32
    %dma_wait3A_167 = tpu.memref_slice %arg3[%dma_wait3A_165, %dma_wait3A_166] : memref<1024x64xf32, #tpu.memory_space<hbm>> -> memref<1024x64xf32, #tpu.memory_space<hbm>>
    tpu.wait_indirect_dma semaphore(%arg8 : memref<!tpu.dma_semaphore, #tpu.memory_space<semaphore_mem>>) src(%dma_wait3A_167 : memref<1024x64xf32, #tpu.memory_space<hbm>>) dst(%dma_wait3A_161 : memref<128x64xf32, #tpu.memory_space<vmem>>)
    %add3A_168 = arith.constant 128 : i32
    %add3A_169 = arith.addi %mul3A_2, %add3A_168 : i32
    %dma_start3A_170 = arith.constant 1 : i32
    %dma_start3A_171 = arith.constant 0 : i32
    %dma_start3A_172 = arith.constant 0 : i32
    %dma_start3A_173 = tpu.memref_slice %arg6[%dma_start3A_170, %dma_start3A_171, %dma_start3A_172] : memref<4x128x64xf32, #tpu.memory_space<vmem>> -> memref<1x128x64xf32, #tpu.memory_space<vmem>>
    %dma_start3A_174 = tpu.memref_squeeze %dma_start3A_173 : memref<1x128x64xf32, #tpu.memory_space<vmem>> -> memref<128x64xf32, #tpu.memory_space<vmem>>
    %dma_start3A_175 = arith.constant 0 : i32
    %dma_start3A_176 = tpu.memref_slice %arg4[%add3A_169, %dma_start3A_175] : memref<16384x64xf32, #tpu.memory_space<hbm>> -> memref<128x64xf32, #tpu.memory_space<hbm>>
    %dma_start3A_177 = arith.constant 0 : i32
    %dma_start3A_178 = tpu.memref_slice %arg4[%add3A_169, %dma_start3A_177] : memref<16384x64xf32, #tpu.memory_space<hbm>> -> memref<128x64xf32, #tpu.memory_space<hbm>>
    %dma_start3A_179 = arith.constant 0 : i32
    %dma_start3A_180 = arith.constant 0 : i32
    %dma_start3A_181 = tpu.memref_slice %arg6[%dma_start3A_170, %dma_start3A_179, %dma_start3A_180] : memref<4x128x64xf32, #tpu.memory_space<vmem>> -> memref<1x128x64xf32, #tpu.memory_space<vmem>>
    %dma_start3A_182 = tpu.memref_squeeze %dma_start3A_181 : memref<1x128x64xf32, #tpu.memory_space<vmem>> -> memref<128x64xf32, #tpu.memory_space<vmem>>
    tpu.enqueue_dma source(%dma_start3A_182 : memref<128x64xf32, #tpu.memory_space<vmem>>) target(%dma_start3A_178 : memref<128x64xf32, #tpu.memory_space<hbm>>) target_semaphore(%arg9 : memref<!tpu.dma_semaphore, #tpu.memory_space<semaphore_mem>>)
    %dma_wait3A_183 = arith.constant 2 : i32
    %dma_wait3A_184 = arith.constant 2 : i32
    %dma_wait3A_185 = arith.constant 0 : i32
    %dma_wait3A_186 = arith.constant 0 : i32
    %dma_wait3A_187 = tpu.memref_slice %arg6[%dma_wait3A_184, %dma_wait3A_185, %dma_wait3A_186] : memref<4x128x64xf32, #tpu.memory_space<vmem>> -> memref<1x128x64xf32, #tpu.memory_space<vmem>>
    %dma_wait3A_188 = tpu.memref_squeeze %dma_wait3A_187 : memref<1x128x64xf32, #tpu.memory_space<vmem>> -> memref<128x64xf32, #tpu.memory_space<vmem>>
    %dma_wait3A_189 = arith.constant 0 : i32
    %dma_wait3A_190 = tpu.memref_slice %arg5[%dma_wait3A_183, %dma_wait3A_189] : memref<4x128xi32, #tpu.memory_space<vmem>> -> memref<1x128xi32, #tpu.memory_space<vmem>>
    %dma_wait3A_191 = tpu.memref_squeeze %dma_wait3A_190 : memref<1x128xi32, #tpu.memory_space<vmem>> -> memref<128xi32, #tpu.memory_space<vmem>>
    %dma_wait3A_192 = arith.constant 0 : i32
    %dma_wait3A_193 = arith.constant 0 : i32
    %dma_wait3A_194 = tpu.memref_slice %arg3[%dma_wait3A_192, %dma_wait3A_193] : memref<1024x64xf32, #tpu.memory_space<hbm>> -> memref<1024x64xf32, #tpu.memory_space<hbm>>
    tpu.wait_indirect_dma semaphore(%arg8 : memref<!tpu.dma_semaphore, #tpu.memory_space<semaphore_mem>>) src(%dma_wait3A_194 : memref<1024x64xf32, #tpu.memory_space<hbm>>) dst(%dma_wait3A_188 : memref<128x64xf32, #tpu.memory_space<vmem>>)
    %add3A_195 = arith.constant 256 : i32
    %add3A_196 = arith.addi %mul3A_2, %add3A_195 : i32
    %dma_start3A_197 = arith.constant 2 : i32
    %dma_start3A_198 = arith.constant 0 : i32
    %dma_start3A_199 = arith.constant 0 : i32
    %dma_start3A_200 = tpu.memref_slice %arg6[%dma_start3A_197, %dma_start3A_198, %dma_start3A_199] : memref<4x128x64xf32, #tpu.memory_space<vmem>> -> memref<1x128x64xf32, #tpu.memory_space<vmem>>
    %dma_start3A_201 = tpu.memref_squeeze %dma_start3A_200 : memref<1x128x64xf32, #tpu.memory_space<vmem>> -> memref<128x64xf32, #tpu.memory_space<vmem>>
    %dma_start3A_202 = arith.constant 0 : i32
    %dma_start3A_203 = tpu.memref_slice %arg4[%add3A_196, %dma_start3A_202] : memref<16384x64xf32, #tpu.memory_space<hbm>> -> memref<128x64xf32, #tpu.memory_space<hbm>>
    %dma_start3A_204 = arith.constant 0 : i32
    %dma_start3A_205 = tpu.memref_slice %arg4[%add3A_196, %dma_start3A_204] : memref<16384x64xf32, #tpu.memory_space<hbm>> -> memref<128x64xf32, #tpu.memory_space<hbm>>
    %dma_start3A_206 = arith.constant 0 : i32
    %dma_start3A_207 = arith.constant 0 : i32
    %dma_start3A_208 = tpu.memref_slice %arg6[%dma_start3A_197, %dma_start3A_206, %dma_start3A_207] : memref<4x128x64xf32, #tpu.memory_space<vmem>> -> memref<1x128x64xf32, #tpu.memory_space<vmem>>
    %dma_start3A_209 = tpu.memref_squeeze %dma_start3A_208 : memref<1x128x64xf32, #tpu.memory_space<vmem>> -> memref<128x64xf32, #tpu.memory_space<vmem>>
    tpu.enqueue_dma source(%dma_start3A_209 : memref<128x64xf32, #tpu.memory_space<vmem>>) target(%dma_start3A_205 : memref<128x64xf32, #tpu.memory_space<hbm>>) target_semaphore(%arg9 : memref<!tpu.dma_semaphore, #tpu.memory_space<semaphore_mem>>)
    %dma_wait3A_210 = arith.constant 3 : i32
    %dma_wait3A_211 = arith.constant 3 : i32
    %dma_wait3A_212 = arith.constant 0 : i32
    %dma_wait3A_213 = arith.constant 0 : i32
    %dma_wait3A_214 = tpu.memref_slice %arg6[%dma_wait3A_211, %dma_wait3A_212, %dma_wait3A_213] : memref<4x128x64xf32, #tpu.memory_space<vmem>> -> memref<1x128x64xf32, #tpu.memory_space<vmem>>
    %dma_wait3A_215 = tpu.memref_squeeze %dma_wait3A_214 : memref<1x128x64xf32, #tpu.memory_space<vmem>> -> memref<128x64xf32, #tpu.memory_space<vmem>>
    %dma_wait3A_216 = arith.constant 0 : i32
    %dma_wait3A_217 = tpu.memref_slice %arg5[%dma_wait3A_210, %dma_wait3A_216] : memref<4x128xi32, #tpu.memory_space<vmem>> -> memref<1x128xi32, #tpu.memory_space<vmem>>
    %dma_wait3A_218 = tpu.memref_squeeze %dma_wait3A_217 : memref<1x128xi32, #tpu.memory_space<vmem>> -> memref<128xi32, #tpu.memory_space<vmem>>
    %dma_wait3A_219 = arith.constant 0 : i32
    %dma_wait3A_220 = arith.constant 0 : i32
    %dma_wait3A_221 = tpu.memref_slice %arg3[%dma_wait3A_219, %dma_wait3A_220] : memref<1024x64xf32, #tpu.memory_space<hbm>> -> memref<1024x64xf32, #tpu.memory_space<hbm>>
    tpu.wait_indirect_dma semaphore(%arg8 : memref<!tpu.dma_semaphore, #tpu.memory_space<semaphore_mem>>) src(%dma_wait3A_221 : memref<1024x64xf32, #tpu.memory_space<hbm>>) dst(%dma_wait3A_215 : memref<128x64xf32, #tpu.memory_space<vmem>>)
    %add3A_222 = arith.constant 384 : i32
    %add3A_223 = arith.addi %mul3A_2, %add3A_222 : i32
    %dma_start3A_224 = arith.constant 3 : i32
    %dma_start3A_225 = arith.constant 0 : i32
    %dma_start3A_226 = arith.constant 0 : i32
    %dma_start3A_227 = tpu.memref_slice %arg6[%dma_start3A_224, %dma_start3A_225, %dma_start3A_226] : memref<4x128x64xf32, #tpu.memory_space<vmem>> -> memref<1x128x64xf32, #tpu.memory_space<vmem>>
    %dma_start3A_228 = tpu.memref_squeeze %dma_start3A_227 : memref<1x128x64xf32, #tpu.memory_space<vmem>> -> memref<128x64xf32, #tpu.memory_space<vmem>>
    %dma_start3A_229 = arith.constant 0 : i32
    %dma_start3A_230 = tpu.memref_slice %arg4[%add3A_223, %dma_start3A_229] : memref<16384x64xf32, #tpu.memory_space<hbm>> -> memref<128x64xf32, #tpu.memory_space<hbm>>
    %dma_start3A_231 = arith.constant 0 : i32
    %dma_start3A_232 = tpu.memref_slice %arg4[%add3A_223, %dma_start3A_231] : memref<16384x64xf32, #tpu.memory_space<hbm>> -> memref<128x64xf32, #tpu.memory_space<hbm>>
    %dma_start3A_233 = arith.constant 0 : i32
    %dma_start3A_234 = arith.constant 0 : i32
    %dma_start3A_235 = tpu.memref_slice %arg6[%dma_start3A_224, %dma_start3A_233, %dma_start3A_234] : memref<4x128x64xf32, #tpu.memory_space<vmem>> -> memref<1x128x64xf32, #tpu.memory_space<vmem>>
    %dma_start3A_236 = tpu.memref_squeeze %dma_start3A_235 : memref<1x128x64xf32, #tpu.memory_space<vmem>> -> memref<128x64xf32, #tpu.memory_space<vmem>>
    tpu.enqueue_dma source(%dma_start3A_236 : memref<128x64xf32, #tpu.memory_space<vmem>>) target(%dma_start3A_232 : memref<128x64xf32, #tpu.memory_space<hbm>>) target_semaphore(%arg9 : memref<!tpu.dma_semaphore, #tpu.memory_space<semaphore_mem>>)
    %dma_wait3A_237 = arith.constant 0 : i32
    %dma_wait3A_238 = arith.constant 0 : i32
    %dma_wait3A_239 = arith.constant 0 : i32
    %dma_wait3A_240 = tpu.memref_slice %arg6[%dma_wait3A_237, %dma_wait3A_238, %dma_wait3A_239] : memref<4x128x64xf32, #tpu.memory_space<vmem>> -> memref<1x128x64xf32, #tpu.memory_space<vmem>>
    %dma_wait3A_241 = tpu.memref_squeeze %dma_wait3A_240 : memref<1x128x64xf32, #tpu.memory_space<vmem>> -> memref<128x64xf32, #tpu.memory_space<vmem>>
    %dma_wait3A_242 = arith.constant 0 : i32
    %dma_wait3A_243 = tpu.memref_slice %arg4[%add3A_142, %dma_wait3A_242] : memref<16384x64xf32, #tpu.memory_space<hbm>> -> memref<128x64xf32, #tpu.memory_space<hbm>>
    %dma_wait3A_244 = arith.constant 0 : i32
    %dma_wait3A_245 = tpu.memref_slice %arg4[%add3A_142, %dma_wait3A_244] : memref<16384x64xf32, #tpu.memory_space<hbm>> -> memref<128x64xf32, #tpu.memory_space<hbm>>
    %dma_wait3A_246 = arith.constant 0 : i32
    %dma_wait3A_247 = arith.constant 0 : i32
    %dma_wait3A_248 = tpu.memref_slice %arg6[%dma_wait3A_237, %dma_wait3A_246, %dma_wait3A_247] : memref<4x128x64xf32, #tpu.memory_space<vmem>> -> memref<1x128x64xf32, #tpu.memory_space<vmem>>
    %dma_wait3A_249 = tpu.memref_squeeze %dma_wait3A_248 : memref<1x128x64xf32, #tpu.memory_space<vmem>> -> memref<128x64xf32, #tpu.memory_space<vmem>>
    tpu.wait_dma2 semaphore(%arg9 : memref<!tpu.dma_semaphore, #tpu.memory_space<semaphore_mem>>) src(%dma_wait3A_249 : memref<128x64xf32, #tpu.memory_space<vmem>>) dst(%dma_wait3A_245 : memref<128x64xf32, #tpu.memory_space<hbm>>)
    %dma_wait3A_250 = arith.constant 1 : i32
    %dma_wait3A_251 = arith.constant 0 : i32
    %dma_wait3A_252 = arith.constant 0 : i32
    %dma_wait3A_253 = tpu.memref_slice %arg6[%dma_wait3A_250, %dma_wait3A_251, %dma_wait3A_252] : memref<4x128x64xf32, #tpu.memory_space<vmem>> -> memref<1x128x64xf32, #tpu.memory_space<vmem>>
    %dma_wait3A_254 = tpu.memref_squeeze %dma_wait3A_253 : memref<1x128x64xf32, #tpu.memory_space<vmem>> -> memref<128x64xf32, #tpu.memory_space<vmem>>
    %dma_wait3A_255 = arith.constant 0 : i32
    %dma_wait3A_256 = tpu.memref_slice %arg4[%add3A_169, %dma_wait3A_255] : memref<16384x64xf32, #tpu.memory_space<hbm>> -> memref<128x64xf32, #tpu.memory_space<hbm>>
    %dma_wait3A_257 = arith.constant 0 : i32
    %dma_wait3A_258 = tpu.memref_slice %arg4[%add3A_169, %dma_wait3A_257] : memref<16384x64xf32, #tpu.memory_space<hbm>> -> memref<128x64xf32, #tpu.memory_space<hbm>>
    %dma_wait3A_259 = arith.constant 0 : i32
    %dma_wait3A_260 = arith.constant 0 : i32
    %dma_wait3A_261 = tpu.memref_slice %arg6[%dma_wait3A_250, %dma_wait3A_259, %dma_wait3A_260] : memref<4x128x64xf32, #tpu.memory_space<vmem>> -> memref<1x128x64xf32, #tpu.memory_space<vmem>>
    %dma_wait3A_262 = tpu.memref_squeeze %dma_wait3A_261 : memref<1x128x64xf32, #tpu.memory_space<vmem>> -> memref<128x64xf32, #tpu.memory_space<vmem>>
    tpu.wait_dma2 semaphore(%arg9 : memref<!tpu.dma_semaphore, #tpu.memory_space<semaphore_mem>>) src(%dma_wait3A_262 : memref<128x64xf32, #tpu.memory_space<vmem>>) dst(%dma_wait3A_258 : memref<128x64xf32, #tpu.memory_space<hbm>>)
    %dma_wait3A_263 = arith.constant 2 : i32
    %dma_wait3A_264 = arith.constant 0 : i32
    %dma_wait3A_265 = arith.constant 0 : i32
    %dma_wait3A_266 = tpu.memref_slice %arg6[%dma_wait3A_263, %dma_wait3A_264, %dma_wait3A_265] : memref<4x128x64xf32, #tpu.memory_space<vmem>> -> memref<1x128x64xf32, #tpu.memory_space<vmem>>
    %dma_wait3A_267 = tpu.memref_squeeze %dma_wait3A_266 : memref<1x128x64xf32, #tpu.memory_space<vmem>> -> memref<128x64xf32, #tpu.memory_space<vmem>>
    %dma_wait3A_268 = arith.constant 0 : i32
    %dma_wait3A_269 = tpu.memref_slice %arg4[%add3A_196, %dma_wait3A_268] : memref<16384x64xf32, #tpu.memory_space<hbm>> -> memref<128x64xf32, #tpu.memory_space<hbm>>
    %dma_wait3A_270 = arith.constant 0 : i32
    %dma_wait3A_271 = tpu.memref_slice %arg4[%add3A_196, %dma_wait3A_270] : memref<16384x64xf32, #tpu.memory_space<hbm>> -> memref<128x64xf32, #tpu.memory_space<hbm>>
    %dma_wait3A_272 = arith.constant 0 : i32
    %dma_wait3A_273 = arith.constant 0 : i32
    %dma_wait3A_274 = tpu.memref_slice %arg6[%dma_wait3A_263, %dma_wait3A_272, %dma_wait3A_273] : memref<4x128x64xf32, #tpu.memory_space<vmem>> -> memref<1x128x64xf32, #tpu.memory_space<vmem>>
    %dma_wait3A_275 = tpu.memref_squeeze %dma_wait3A_274 : memref<1x128x64xf32, #tpu.memory_space<vmem>> -> memref<128x64xf32, #tpu.memory_space<vmem>>
    tpu.wait_dma2 semaphore(%arg9 : memref<!tpu.dma_semaphore, #tpu.memory_space<semaphore_mem>>) src(%dma_wait3A_275 : memref<128x64xf32, #tpu.memory_space<vmem>>) dst(%dma_wait3A_271 : memref<128x64xf32, #tpu.memory_space<hbm>>)
    %dma_wait3A_276 = arith.constant 3 : i32
    %dma_wait3A_277 = arith.constant 0 : i32
    %dma_wait3A_278 = arith.constant 0 : i32
    %dma_wait3A_279 = tpu.memref_slice %arg6[%dma_wait3A_276, %dma_wait3A_277, %dma_wait3A_278] : memref<4x128x64xf32, #tpu.memory_space<vmem>> -> memref<1x128x64xf32, #tpu.memory_space<vmem>>
    %dma_wait3A_280 = tpu.memref_squeeze %dma_wait3A_279 : memref<1x128x64xf32, #tpu.memory_space<vmem>> -> memref<128x64xf32, #tpu.memory_space<vmem>>
    %dma_wait3A_281 = arith.constant 0 : i32
    %dma_wait3A_282 = tpu.memref_slice %arg4[%add3A_223, %dma_wait3A_281] : memref<16384x64xf32, #tpu.memory_space<hbm>> -> memref<128x64xf32, #tpu.memory_space<hbm>>
    %dma_wait3A_283 = arith.constant 0 : i32
    %dma_wait3A_284 = tpu.memref_slice %arg4[%add3A_223, %dma_wait3A_283] : memref<16384x64xf32, #tpu.memory_space<hbm>> -> memref<128x64xf32, #tpu.memory_space<hbm>>
    %dma_wait3A_285 = arith.constant 0 : i32
    %dma_wait3A_286 = arith.constant 0 : i32
    %dma_wait3A_287 = tpu.memref_slice %arg6[%dma_wait3A_276, %dma_wait3A_285, %dma_wait3A_286] : memref<4x128x64xf32, #tpu.memory_space<vmem>> -> memref<1x128x64xf32, #tpu.memory_space<vmem>>
    %dma_wait3A_288 = tpu.memref_squeeze %dma_wait3A_287 : memref<1x128x64xf32, #tpu.memory_space<vmem>> -> memref<128x64xf32, #tpu.memory_space<vmem>>
    tpu.wait_dma2 semaphore(%arg9 : memref<!tpu.dma_semaphore, #tpu.memory_space<semaphore_mem>>) src(%dma_wait3A_288 : memref<128x64xf32, #tpu.memory_space<vmem>>) dst(%dma_wait3A_284 : memref<128x64xf32, #tpu.memory_space<hbm>>)
    return
  }
}

module attributes {stable_mosaic.version = 14 : i64} {
  func.func @_dist_argmin_body(%arg0: i32, %arg1: memref<2048x64xf32, #tpu.memory_space<vmem>>, %arg2: memref<1024x64xf32, #tpu.memory_space<vmem>>, %arg3: memref<1x1x2048xi32, #tpu.memory_space<vmem>>, %arg4: memref<1x1x2048xf32, #tpu.memory_space<vmem>>) attributes {dimension_semantics = [#tpu.dimension_semantics<arbitrary>], iteration_bounds = array<i64: 8>, scalar_prefetch = 0 : i64, scratch_operands = 0 : i64, tpu.core_type = #tpu.core_type<tc>, window_params = [{transform_indices = @transform_0, window_bounds = array<i64: 2048, 64>}, {pipeline_mode = #tpu.pipeline_mode<synchronous>, transform_indices = @transform_1, window_bounds = array<i64: 1024, 64>}, {transform_indices = @transform_2, window_bounds = array<i64: 1, 1, 2048>}, {transform_indices = @transform_3, window_bounds = array<i64: 1, 1, 2048>}]} {
    %get3A = arith.constant 0 : index
    %get3A_0 = arith.constant 0 : index
    %get3A_1 = vector.load %arg1[%get3A, %get3A_0] : memref<2048x64xf32, #tpu.memory_space<vmem>>, vector<2048x64xf32>
    %get3A_2 = arith.constant 0 : index
    %get3A_3 = arith.constant 0 : index
    %get3A_4 = vector.load %arg2[%get3A_2, %get3A_3] : memref<1024x64xf32, #tpu.memory_space<vmem>>, vector<1024x64xf32>
    %mul3A = arith.mulf %get3A_4, %get3A_4 : vector<1024x64xf32>
    %reduce_sum3A = arith.constant dense<0.000000e+00> : vector<1024xf32>
    %reduce_sum3A_5 = vector.multi_reduction <add>, %mul3A, %reduce_sum3A [1] : vector<1024x64xf32> to vector<1024xf32>
    %broadcast_in_dim3A = vector.shape_cast %reduce_sum3A_5 : vector<1024xf32> to vector<1024x1xf32>
    %mul3A_6 = arith.mulf %get3A_1, %get3A_1 : vector<2048x64xf32>
    %reduce_sum3A_7 = arith.constant dense<0.000000e+00> : vector<2048xf32>
    %reduce_sum3A_8 = vector.multi_reduction <add>, %mul3A_6, %reduce_sum3A_7 [1] : vector<2048x64xf32> to vector<2048xf32>
    %broadcast_in_dim3A_9 = vector.shape_cast %reduce_sum3A_8 : vector<2048xf32> to vector<2048x1xf32>
    %mul3A_10 = arith.constant -2.000000e+00 : f32
    %mul3A_11 = vector.broadcast %mul3A_10 : f32 to vector<2048x64xf32>
    %mul3A_12 = arith.mulf %get3A_1, %mul3A_11 : vector<2048x64xf32>
    %dot_general3A = arith.constant dense<0.000000e+00> : vector<2048x1024xf32>
    %dot_general3A_13 = tpu.matmul %mul3A_12, %get3A_4, %dot_general3A {dimension_numbers = #tpu.dot_dimension_numbers<[1], [1], [0], [0], [0, 0, 1, 0], [], []>, transpose_lhs_hint = false} : vector<2048x64xf32>, vector<1024x64xf32>, vector<2048x1024xf32> -> vector<2048x1024xf32>
    %squeeze3A = vector.shape_cast %broadcast_in_dim3A : vector<1024x1xf32> to vector<1024xf32>
    %broadcast_in_dim3A_14 = vector.shape_cast %squeeze3A : vector<1024xf32> to vector<1x1024xf32>
    %add3A = vector.broadcast %broadcast_in_dim3A_9 : vector<2048x1xf32> to vector<2048x1024xf32>
    %add3A_15 = vector.broadcast %broadcast_in_dim3A_14 : vector<1x1024xf32> to vector<2048x1024xf32>
    %add3A_16 = arith.addf %add3A, %add3A_15 : vector<2048x1024xf32>
    %add3A_17 = arith.addf %add3A_16, %dot_general3A_13 : vector<2048x1024xf32>
    %transpose3A = tpu.transpose %add3A_17, [1, 0] : vector<2048x1024xf32> -> vector<1024x2048xf32>
    %reduce_min3A = arith.constant dense<0x7F800000> : vector<2048xf32>
    %reduce_min3A_18 = vector.multi_reduction <minimumf>, %transpose3A, %reduce_min3A [0] : vector<1024x2048xf32> to vector<2048xf32>
    %broadcast_in_dim3A_19 = vector.shape_cast %reduce_min3A_18 : vector<2048xf32> to vector<1x2048xf32>
    %iota3A = tpu.iota {dimensions = array<i32: 0>} : vector<1024x2048xi32>
    %eq3A = vector.broadcast %broadcast_in_dim3A_19 : vector<1x2048xf32> to vector<1024x2048xf32>
    %eq3A_20 = arith.cmpf oeq, %transpose3A, %eq3A : vector<1024x2048xf32>
    %jit3A = arith.constant 1024 : i32
    %broadcast_in_dim3A_21 = vector.broadcast %jit3A : i32 to vector<1024x2048xi32>
    %select_n3A = arith.select %eq3A_20, %iota3A, %broadcast_in_dim3A_21 : vector<1024x2048xi1>, vector<1024x2048xi32>
    %reduce_min3A_22 = arith.constant dense<2147483647> : vector<2048xi32>
    %reduce_min3A_23 = vector.multi_reduction <minsi>, %select_n3A, %reduce_min3A_22 [0] : vector<1024x2048xi32> to vector<2048xi32>
    %swap3A = arith.constant 0 : index
    %swap3A_24 = arith.constant 0 : index
    %swap3A_25 = arith.constant 0 : index
    %swap3A_26 = vector.load %arg3[%swap3A, %swap3A_24, %swap3A_25] : memref<1x1x2048xi32, #tpu.memory_space<vmem>>, vector<1x1x2048xi32>
    %swap3A_27 = vector.shape_cast %swap3A_26 : vector<1x1x2048xi32> to vector<2048xi32>
    %swap3A_28 = vector.shape_cast %reduce_min3A_23 : vector<2048xi32> to vector<1x1x2048xi32>
    tpu.vector_store %arg3[%swap3A, %swap3A_24, %swap3A_25], %swap3A_28 {strides = array<i32>} : memref<1x1x2048xi32, #tpu.memory_space<vmem>>, vector<1x1x2048xi32>,
    %mul3A_29 = arith.constant 1.250000e+00 : f32
    %mul3A_30 = vector.broadcast %mul3A_29 : f32 to vector<1x2048xf32>
    %mul3A_31 = arith.mulf %mul3A_30, %broadcast_in_dim3A_19 : vector<1x2048xf32>
    %squeeze3A_32 = vector.shape_cast %mul3A_31 : vector<1x2048xf32> to vector<2048xf32>
    %swap3A_33 = arith.constant 0 : index
    %swap3A_34 = arith.constant 0 : index
    %swap3A_35 = arith.constant 0 : index
    %swap3A_36 = vector.load %arg4[%swap3A_33, %swap3A_34, %swap3A_35] : memref<1x1x2048xf32, #tpu.memory_space<vmem>>, vector<1x1x2048xf32>
    %swap3A_37 = vector.shape_cast %swap3A_36 : vector<1x1x2048xf32> to vector<2048xf32>
    %swap3A_38 = vector.shape_cast %squeeze3A_32 : vector<2048xf32> to vector<1x1x2048xf32>
    tpu.vector_store %arg4[%swap3A_33, %swap3A_34, %swap3A_35], %swap3A_38 {strides = array<i32>} : memref<1x1x2048xf32, #tpu.memory_space<vmem>>, vector<1x1x2048xf32>,
    return
  }
  func.func @transform_0(%arg0: i32) -> (i32, i32) {
    %c0_i32 = arith.constant 0 : i32
    %c0_i32_0 = arith.constant 0 : i32
    return %arg0, %c0_i32 : i32, i32
  }
  func.func @transform_1(%arg0: i32) -> (i32, i32) {
    %c0_i32 = arith.constant 0 : i32
    %c0_i32_0 = arith.constant 0 : i32
    %c0_i32_1 = arith.constant 0 : i32
    return %c0_i32, %c0_i32_0 : i32, i32
  }
  func.func @transform_2(%arg0: i32) -> (i32, i32, i32) {
    %c0_i32 = arith.constant 0 : i32
    %c0_i32_0 = arith.constant 0 : i32
    %c0_i32_1 = arith.constant 0 : i32
    return %arg0, %c0_i32, %c0_i32_0 : i32, i32, i32
  }
  func.func @transform_3(%arg0: i32) -> (i32, i32, i32) {
    %c0_i32 = arith.constant 0 : i32
    %c0_i32_0 = arith.constant 0 : i32
    %c0_i32_1 = arith.constant 0 : i32
    return %arg0, %c0_i32, %c0_i32_0 : i32, i32, i32
  }
}

</mosaic_0001>

<sc_bundles>
// kernel: kernel.4.cloned.1.call-start
scs
__scs_entry_jumppad:
0x0: {  	(pc) =	sbr.rel $0x88, $3  }
0x1: {  	(tag) =	ssettag $0x0;
	lr =	simm.s32 $0x1  }
0x2: {  	[smem:$0x3F9F] =	sst lr;
	_ =	strace $0xD0000000  }
0x3: {  	_ = 	snop  }
0x4: {  	_ = 	snop  }
0x5: {  	_ = 	snop  }
0x6: {  	_ = 	snop  }
0x7: {  	_ = 	snop  }
__scs_overlays_trampoline_lowered:
0x8: {  	[smem:$0x3FAE] =	sst s0  }
0x9: {  	[smem:$0x3FAF] =	sst s1  }
0xa: {  	[smem:$0x3FB0] =	sst s2  }
0xb: {  	[smem:$0x3FB1] =	sst s3  }
0xc: {  	[smem:$0x3FB2] =	sst s4  }
0xd: {  	[smem:$0x3FB3] =	sst s5  }
0xe: {  	[smem:$0x3FB4] =	sst s6  }
0xf: {  	[smem:$0x3FB5] =	sst s7  }
0x10: {  	[smem:$0x3FB6] =	sst s8  }
0x11: {  	[smem:$0x3FB7] =	sst s9;
	s0 =	simm.s32 @!p0 $0x0  }
0x12: {  	s1 =	sld [smem:$0x3F9D];
	s0 =	simm.s32 @p0 $0x1  }
0x13: {  	[smem:$0x3FB8] =	sst s0;
	s0 =	simm.s32 @!p1 $0x0  }
0x14: {  	s2 =	sld [smem:$0x3F9C];
	s0 =	simm.s32 @p1 $0x1  }
0x15: {  	[smem:$0x3FB9] =	sst s0;
	s0 =	simm.s32 @!p2 $0x0  }
0x16: {  	s3 =	sld [smem:$0x3FDB];
	s0 =	simm.s32 @p2 $0x1  }
0x17: {  	s4 =	simm.s32 $0x1BF5;
	[smem:$0x3FBB] =	sst s0  }
0x18: {  	s0 =	sld [smem:$0x3F9E];
	_ =	swait.ge [sflag:s4], $0x0  }
0x19: {  	s7 =	sld [smem:$0x3F9F]  }
0x1a: {  	s8 =	sadd.s32 $0xFFFFE003, lr  }
0x1b: {  	s9 =	sadd.s32 $0xFFFFFEF7, lr;
	s5 =	simm.s32 $0xFFFFFFFF;
	p2 =	slt.u32 s8, $0xFFFFF086  }
0x1c: {  	p1 =	slt.u32 s9, $0xF7A;
	s5 =	simm.s32 @!p2 $0x0  }
0x1d: {  	s5 =	simm.s32 @p1 $0x1;
	p0 =	seq.s32 s7, s2  }
0x1e: {  	s7 =	smul.u32 @!p0 $0xF7A, s2;
	p2 =	seq.s32 @!p0 s5, $0x0  }
0x1f: {  	s9 =	smul.u32 $0xF7A, s1;
	s8 =	simm.s32 @!p0 $0x1BF5;
	p2 =	por !p2, p0  }
0x20: {  	[sflag:s8] =	ssyncset.s32 @!p0 $0xFFFFF086;
	s6 =	sadd.s32 @!p0 s3, s7;
	s7 =	simm.s32 @!p0 $0x108  }
0x21: {  	s3 =	sadd.s32 s3, s9;
	s6 =	sadd.s32 @!p0 $0x88, s6;
	s7 =	simm.s32 @p2 $0x1082  }
0x22: {  	[simem:s7], [sflag:s8] =	dma.local @!p0 [hbm:s6], $0xF7A  }
0x23: {  	s9 =	sor.u32 $0xD0000000, s2;
	s6 =	simm.s32 $0x108;
	_ =	swait.ge @!p0 [sflag:s8], $0x0  }
0x24: {  	s3 =	sadd.s32 $0x88, s3;
	s6 =	simm.s32 @!p1 $0x1082;
	[sflag:s4] =	ssyncset.s32 $0xFFFFF086  }
0x25: {  	[simem:s6], [sflag:s4] =	dma.local [hbm:s3], $0xF7A  }
0x26: {  	[smem:$0x3F9F] =	sst s1;
	(tag) =	ssettag s2;
	_ =	strace s9  }
0x27: {  	s1 =	sld [smem:$0x3FAF]  }
0x28: {  	s2 =	sld [smem:$0x3FB0]  }
0x29: {  	s4 =	sld [smem:$0x3FB2]  }
0x2a: {  	p0 =	seq.s32 s5, $0x0;
	s5 =	sld [smem:$0x3FB3]  }
0x2b: {  	s6 =	sld [smem:$0x3FB4]  }
0x2c: {  	s7 =	sld [smem:$0x3FB5]  }
0x2d: {  	s3 =	simm.s32 $0x108;
	s8 =	sld [smem:$0x3FB6]  }
0x2e: {  	s3 =	simm.s32 @!p0 $0x1082;
	s9 =	sld [smem:$0x3FB7]  }
0x2f: {  	lr =	sadd.s32 s0, s3;
	s0 =	sld [smem:$0x3FAE]  }
0x30: {  	s3 =	sld [smem:$0x3FB1]  }
0x31: {  	[smem:$0x3FBA] =	sst s10  }
0x32: {  	s10 =	sld [smem:$0x3FB8];
	_ =	sdelay $0x3  }
0x33: {  	p0 =	seq.s32 s10, $0x1;
	s10 =	sld [smem:$0x3FBA];
	_ =	sdelay $0x3  }
0x34: {  	[smem:$0x3FBA] =	sst s10  }
0x35: {  	s10 =	sld [smem:$0x3FB9];
	_ =	sdelay $0x3  }
0x36: {  	p1 =	seq.s32 s10, $0x1;
	s10 =	sld [smem:$0x3FBA];
	_ =	sdelay $0x3  }
0x37: {  	[smem:$0x3FBA] =	sst s10  }
0x38: {  	s10 =	sld [smem:$0x3FBB]  }
0x39: {  	_ = 	snop;
	(pc) =	sbr.ind lr, $3  }
0x3a: {  	_ = 	snop  }
0x3b: {  	_ = 	snop  }
0x3c: {  	p2 =	seq.s32 s10, $0x1;
	s10 =	sld [smem:$0x3FBA]  }
0x3d: {  	_ =	shalt  }
0x3e: {  	_ =	shalt  }
0x3f: {  	_ =	shalt  }
0x40: {  	_ =	shalt  }
0x41: {  	_ =	shalt  }
0x42: {  	_ =	shalt  }
0x43: {  	_ =	shalt  }
0x44: {  	_ =	shalt  }
0x45: {  	_ =	shalt  }
0x46: {  	_ =	shalt  }
0x47: {  	_ =	shalt  }
0x48: {  	_ =	shalt  }
0x49: {  	_ =	shalt  }
0x4a: {  	_ =	shalt  }
0x4b: {  	_ =	shalt  }
0x4c: {  	_ =	shalt  }
0x4d: {  	_ =	shalt  }
0x4e: {  	_ =	shalt  }
0x4f: {  	_ =	shalt  }
0x50: {  	_ =	shalt  }
0x51: {  	_ =	shalt  }
0x52: {  	_ =	shalt  }
0x53: {  	_ =	shalt  }
0x54: {  	_ =	shalt  }
0x55: {  	_ =	shalt  }
0x56: {  	_ =	shalt  }
0x57: {  	_ =	shalt  }
0x58: {  	_ =	shalt  }
0x59: {  	_ =	shalt  }
0x5a: {  	_ =	shalt  }
0x5b: {  	_ =	shalt  }
0x5c: {  	_ =	shalt  }
0x5d: {  	_ =	shalt  }
0x5e: {  	_ =	shalt  }
0x5f: {  	_ =	shalt  }
0x60: {  	_ =	shalt  }
0x61: {  	_ =	shalt  }
0x62: {  	_ =	shalt  }
0x63: {  	_ =	shalt  }
0x64: {  	_ =	shalt  }
0x65: {  	_ =	shalt  }
0x66: {  	_ =	shalt  }
0x67: {  	_ =	shalt  }
0x68: {  	_ =	shalt  }
0x69: {  	_ =	shalt  }
0x6a: {  	_ =	shalt  }
0x6b: {  	_ =	shalt  }
0x6c: {  	_ =	shalt  }
0x6d: {  	_ =	shalt  }
0x6e: {  	_ =	shalt  }
0x6f: {  	_ =	shalt  }
0x70: {  	_ =	shalt  }
0x71: {  	_ =	shalt  }
0x72: {  	_ =	shalt  }
0x73: {  	_ =	shalt  }
0x74: {  	_ =	shalt  }
0x75: {  	_ =	shalt  }
0x76: {  	_ =	shalt  }
0x77: {  	_ =	shalt  }
0x78: {  	_ =	shalt  }
0x79: {  	_ =	shalt  }
0x7a: {  	_ =	shalt  }
0x7b: {  	_ =	shalt  }
0x7c: {  	_ =	shalt  }
0x7d: {  	_ =	shalt  }
0x7e: {  	_ =	shalt  }
0x7f: {  	_ =	shalt  }
0x80: {  	_ =	shalt  }
0x81: {  	_ =	shalt  }
0x82: {  	_ =	shalt  }
0x83: {  	_ =	shalt  }
0x84: {  	_ =	shalt  }
0x85: {  	_ =	shalt  }
0x86: {  	_ =	shalt  }
0x87: {  	_ =	shalt  }
.Lfunc_end0:
.L_simem_size_0:
called_computation_lowered:
.L_overlay_start_0:
0x88: {  	s2 =	sld [smem:$0x3FD9]  }
0x89: {  	s3 =	sld [smem:$0x3FFE];
	_ =	sdelay $0x1  }
0x8a: {  	s1 =	srdreg.scid  }
0x8b: {  	s0 =	sand.u32 $0x1, s1  }
0x8c: {  	s14 =	sshll.u32 s0, $0xA;
	s2 =	sadd.s32 s3, s2  }
0x8d: {  	s2 =	sadd.s32 s2, s14  }
0x8e: {  	[smem:$0x3FC6] =	sst s2  }
0x8f: {  	_ = 	snop  }
0x90: {  	s2 =	sld [smem:$0x3FD0];
	_ =	sdelay $0x2  }
0x91: {  	s15 =	simm.s32 $0xA;
	s4 =	simm.s32 $0x10  }
0x92: {  	[smem:s4], [sflag:s15] =	dma.local [hbm:s2], $0x1  }
0x93: {  	_ =	swait.eq [sflag:s15], $0x1  }
0x94: {  	[sflag:s15] =	ssyncset.done $0x0  }
0x95: {  	s16 =	sld [smem:$0x10];
	[sflag:s15] =	ssyncadd.s32 $0xFFFFFFFF  }
0x96: {  	s17 =	sld [smem:$0x11];
	(tm) =	ssettm $0x1  }
0x97: {  	s18 =	sld [smem:$0x3FFB];
	_ =	sdelay $0x3  }
0x98: {  	_ =	strace s18  }
0x99: {  	s4 =	sld [smem:$0x3FFC];
	_ =	sdelay $0x3  }
0x9a: {  	_ =	strace s4  }
0x9b: {  	s4 =	sld [smem:$0x3FFD];
	_ =	sdelay $0x3  }
0x9c: {  	_ =	strace s4  }
0x9d: {  	_ =	strace $0x8FFFFFFF  }
0x9e: {  	s19 =	sld [smem:$0x3FDB];
	_ =	sdelay $0x1  }
0x9f: {  	s5 =	simm.s32 $_scs_section_size  }
0xa0: {  	s6 =	simm.s32 $_size__tile_overlayer_lowered;
	s7 =	simm.s32 $_tile_overlayer_lowered  }
0xa1: {  	s22 =	simm.s32 $0x1BFF;
	s21 =	sshll.u32 s7, $0x1;
	s4 =	sadd.s32 s5, s19  }
0xa2: {  	s8 =	simm.s32 $0x0;
	s20 =	sshll.u32 s6, $0x1;
	s6 =	sadd.s32 s21, s4  }
0xa3: {  	[timem:s8], [sflag:s22] =	dma.local [hbm:s6], s20  }
0xa4: {  	_ =	swait.ge [sflag:s22], s20  }
0xa5: {  	s5 =	ssub.s32 $0x0, s20;
	[sflag:s22] =	ssyncset.done $0x0  }
0xa6: {  	[sflag:s22] =	ssyncadd.s32 s5;
	_ =	sdelay $0x1  }
0xa7: {  	s23 =	simm.s32 $0x1B8B  }
0xa8: {  	_ =	swait.ge [sflag:s23], $0x1  }
0xa9: {  	[sflag:s23] =	ssyncset.done $0x0  }
0xaa: {  	s25 =	simm.s32 $0x1B8E;
	s24 =	sld [smem:$0x3FFE];
	[sflag:s23] =	ssyncadd.s32 $0xFFFFFFFF  }
0xab: {  	s26 =	simm.s32 $execute0_lowered;
	[smem:$0x3FD2] =	sst s25  }
0xac: {  	s6 =	sshll.u32 s26, $0x1;
	_ =	strace $0x80000046;
	[dreg:$0x1] =	wrdreg $0xFFFFFFFF  }
0xad: {  	s28 =	simm.s32 $_size_execute0_lowered;
	s4 =	sadd.s32 s4, s6;
	[dreg:$0x0] =	wrdreg $0x0  }
0xae: {  	s6 =	sshll.u32 s28, $0x1;
	[dreg:$0x2] =	wrdreg s4  }
0xaf: {  	[dreg:$0x3] =	wrdreg s6  }
0xb0: {  	[dreg:$0x4] =	wrdreg $0xC0  }
0xb1: {  	_ =	task [dreg:s8], $0x5FFFF  }
0xb2: {  	[dreg:$0x1] =	wrdreg $0xFFFFFFFF  }
0xb3: {  	[dreg:$0x0] =	wrdreg $0x60  }
0xb4: {  	[dreg:$0x2] =	wrdreg s17  }
0xb5: {  	[dreg:$0x3] =	wrdreg s24  }
0xb6: {  	[dreg:$0x4] =	wrdreg s16  }
0xb7: {  	[dreg:$0x5] =	wrdreg $0x9  }
0xb8: {  	_ =	task.clear_ibuf [dreg:s8], $0x6FFFF;
	_ =	strace $0x90000046  }
0xb9: {  	s29 =	simm.s32 $0x9;
	_ =	strace $0x80000048  }
0xba: {  	_ =	swait.ge [sflag:s29], $0x1  }
0xbb: {  	[sflag:s29] =	ssyncadd.s32 $0xFFFFFFFF  }
0xbc: {  	_ =	strace $0x90000048  }
0xbd: {  	_ =	sfence  }
0xbe: {  	s30 =	sld [smem:$0x0];
	_ =	sdelay $0x2  }
0xbf: {  	s31 =	sshll.u32 s1, $0xD;
	s1 =	sshrl.u32 s1, $0x2  }
0xc0: {  	s3 =	sand.u32 $0x4000, s31;
	s1 =	sadd.s32 s1, s30  }
0xc1: {  	s0 =	sor.u32 s3, s0;
	s1 =	sshll.u32 s1, $0x11  }
0xc2: {  	s0 =	sor.u32 s1, s0  }
0xc3: {  	s0 =	sadd.s32 $0x8F2B, s0  }
0xc4: {  	[sflag:s0] =	ssyncadd.remote.s32 $0x1  }
0xc5: {  	_ =	sfence.sel $0xFFFF  }
0xc6: {  	[dreg:$0x0] =	wrdreg $0xFFFFFFFF;
	(pc) =	sbr.abs _section_cstart, $3  }
0xc7: {  	[dreg:$0x1] =	wrdreg $0xFFFFFFFF  }
0xc8: {  	_ =	task.clear_ibuf [dreg:s8], $0x2FFFF;
	_ =	strace $0x9FFFFFFF  }
0xc9: {  	(tm) =	ssettm $0x7FFFFFFF  }
tec
execute0_lowered:
.L_overlay_start_1:
0x0: {  	(tag) =	ssettag $0x1  }
0x1: {  	s8 =	rddreg [dreg:$0x0];
	s1 =	srdreg.scid  }
0x2: {  	s11 =	rddreg [dreg:$0x1];
	s0 =	stileid.u32  }
0x3: {  	s20 =	rddreg [dreg:$0x2];
	s2 =	simm.s32 $0x0;
	s22 =	sand.u32 $0x1, s1  }
0x4: {  	s3 =	sshll.u32 s0, $0xA;
	s1 =	rddreg [dreg:$0x3];
	s4 =	sshll.u32 s22, $0x9  }
0x5: {  	s5 =	simm.s32 $0x80;
	[smem:$0x7FF] =	sst s2;
	s17 =	sor.u32 s4, s3  }
0x6: {  	_ =	strace $0x80000047;
	s18 =	sor.u32 $0x80, s17;
	s3 =	sshrl.u32 s17, $0x3  }
0x7: {  	s19 =	sor.u32 $0x100, s17;
	s31 =	sshrl.u32 s18, $0x3;
	s3 =	sadd.s32 s8, s3  }
0x8: {  	[tilespmem:s2], [sflag:$0x1] =	stream.linear.gather [hbm4b:s3+s2], $0x80, $0x38;
	[tilespmem:$0x8200] =	vst v63  }
0x9: {  	s21 =	sor.u32 $0x180, s17;
	s6 =	sshrl.u32 s19, $0x3;
	s4 =	sadd.s32 s8, s31  }
0xa: {  	[tilespmem:s5], [sflag:$0x1] =	stream.linear.gather [hbm4b:s4+s2], $0x80, $0x38;
	[tilespmem:$0x8200] =	vst v63  }
0xb: {  	s7 =	simm.s32 $0x100;
	s9 =	sshrl.u32 s21, $0x3;
	s6 =	sadd.s32 s8, s6  }
0xc: {  	[tilespmem:s7], [sflag:$0x1] =	stream.linear.gather [hbm4b:s6+s2], $0x80, $0x38;
	[tilespmem:$0x8200] =	vst v63  }
0xd: {  	s10 =	simm.s32 $0x1;
	s8 =	sadd.s32 s8, s9;
	s9 =	simm.s32 $0x180  }
0xe: {  	[tilespmem:s9], [sflag:$0x1] =	stream.linear.gather [hbm4b:s8+s2], $0x80, $0x38;
	[tilespmem:$0x8200] =	vst v63  }
0xf: {  	_ =	swait.ge [sflag:s10], $0x80  }
0x10: {  	[sflag:s10] =	ssyncset.done $0x0  }
0x11: {  	s12 =	simm.s32 $0x200;
	s11 =	sadd.s32 $0x600, s11;
	[sflag:s10] =	ssyncadd.s32 $0xFFFFFF80  }
0x12: {  	[tilespmem:s12], [sflag:$0x2] =	stream.indirect.gather [hbm4b:s11+s5], $0x40, s2, s5, $0xb8;
	[tilespmem:$0x8200] =	vst v63  }
0x13: {  	_ =	swait.ge [sflag:s10], $0x80  }
0x14: {  	[sflag:s10] =	ssyncset.done $0x0  }
0x15: {  	s13 =	simm.s32 $0x2200;
	[sflag:s10] =	ssyncadd.s32 $0xFFFFFF80  }
0x16: {  	[tilespmem:s13], [sflag:$0x2] =	stream.indirect.gather [hbm4b:s11+s5], $0x40, s5, s5, $0xb8;
	[tilespmem:$0x8200] =	vst v63  }
0x17: {  	_ =	swait.ge [sflag:s10], $0x80  }
0x18: {  	[sflag:s10] =	ssyncset.done $0x0  }
0x19: {  	s14 =	simm.s32 $0x4200;
	[sflag:s10] =	ssyncadd.s32 $0xFFFFFF80  }
0x1a: {  	[tilespmem:s14], [sflag:$0x2] =	stream.indirect.gather [hbm4b:s11+s5], $0x40, s7, s5, $0xb8;
	[tilespmem:$0x8200] =	vst v63  }
0x1b: {  	_ =	swait.ge [sflag:s10], $0x80  }
0x1c: {  	[sflag:s10] =	ssyncset.done $0x0  }
0x1d: {  	s15 =	simm.s32 $0x6200;
	s16 =	simm.s32 $0x2;
	[sflag:s10] =	ssyncadd.s32 $0xFFFFFF80  }
0x1e: {  	[tilespmem:s15], [sflag:$0x2] =	stream.indirect.gather [hbm4b:s11+s5], $0x40, s9, s5, $0xb8;
	[tilespmem:$0x8200] =	vst v63  }
0x1f: {  	_ =	swait.ge [sflag:s16], $0x2000  }
0x20: {  	s17 =	sshll.u32 s17, $0x3;
	[sflag:s16] =	ssyncset.done $0x0  }
0x21: {  	s17 =	sadd.s32 s20, s17;
	[sflag:s16] =	ssyncadd.s32 $0xFFFFE000  }
0x22: {  	[hbm4b:s17+s2] =	stream.linear.scatter [tilespmem:s12], [sflag:$0x3], $0x2000, $0x38;
	[tilespmem:$0x8200] =	vst v63  }
0x23: {  	_ =	swait.ge [sflag:s16], $0x2000  }
0x24: {  	s18 =	sshll.u32 s18, $0x3;
	[sflag:s16] =	ssyncset.done $0x0  }
0x25: {  	s18 =	sadd.s32 s20, s18;
	[sflag:s16] =	ssyncadd.s32 $0xFFFFE000  }
0x26: {  	[hbm4b:s18+s2] =	stream.linear.scatter [tilespmem:s13], [sflag:$0x3], $0x2000, $0x38;
	[tilespmem:$0x8200] =	vst v63  }
0x27: {  	_ =	swait.ge [sflag:s16], $0x2000  }
0x28: {  	s19 =	sshll.u32 s19, $0x3;
	[sflag:s16] =	ssyncset.done $0x0  }
0x29: {  	s19 =	sadd.s32 s20, s19;
	[sflag:s16] =	ssyncadd.s32 $0xFFFFE000  }
0x2a: {  	[hbm4b:s19+s2] =	stream.linear.scatter [tilespmem:s14], [sflag:$0x3], $0x2000, $0x38;
	[tilespmem:$0x8200] =	vst v63  }
0x2b: {  	_ =	swait.ge [sflag:s16], $0x2000  }
0x2c: {  	s21 =	sshll.u32 s21, $0x3;
	[sflag:s16] =	ssyncset.done $0x0  }
0x2d: {  	s21 =	sadd.s32 s20, s21;
	s20 =	simm.s32 $0x3;
	[sflag:s16] =	ssyncadd.s32 $0xFFFFE000  }
0x2e: {  	[hbm4b:s21+s2] =	stream.linear.scatter [tilespmem:s15], [sflag:$0x3], $0x2000, $0x38;
	[tilespmem:$0x8200] =	vst v63  }
0x2f: {  	_ =	swait.ge [sflag:s20], $0x2000  }
0x30: {  	s22 =	ssub.s32 $0x2, s22;
	[sflag:s20] =	ssyncset.done $0x0  }
0x31: {  	s23 =	sshrl.u32 s22, $0x1;
	[sflag:s20] =	ssyncadd.s32 $0xFFFFE000  }
0x32: {  	s22 =	ssub.s32 s22, s23;
	_ =	swait.ge [sflag:s20], $0x2000  }
0x33: {  	s22 =	smax.u32 s22, $0x1;
	[sflag:s20] =	ssyncset.done $0x0  }
0x34: {  	p0 =	sne.s32 s22, $0x1;
	[sflag:s20] =	ssyncadd.s32 $0xFFFFE000  }
.Ltmp0:
0x35: {  	_ =	swait.ge [sflag:s20], $0x2000;
	(pc) =	sbr.rel @!p0 .LBB2_2-.Ltmp0, $4  }
0x36: {  	[sflag:s20] =	ssyncset.done $0x0  }
0x37: {  	[sflag:s20] =	ssyncadd.s32 $0xFFFFE000  }
0x38: {  	_ =	swait.ge [sflag:s20], $0x2000  }
0x39: {  	s22 =	sadd.s32 $0xFFFFFFFF, s22;
	[sflag:s20] =	ssyncset.done $0x0  }
.LBB2_1:
0x3a: {  	p0 =	sne.s32 s22, $0x1;
	s22 =	sadd.s32 $0xFFFFFFFF, s22;
	[sflag:s20] =	ssyncadd.s32 $0xFFFFE000  }
0x3b: {  	[tilespmem:s2], [sflag:$0x1] =	stream.linear.gather [hbm4b:s3+s2], $0x80, $0x38;
	[tilespmem:$0x8200] =	vst v63  }
0x3c: {  	_ = 	snop  }
0x3d: {  	[tilespmem:s5], [sflag:$0x1] =	stream.linear.gather [hbm4b:s4+s2], $0x80, $0x38;
	[tilespmem:$0x8200] =	vst v63  }
0x3e: {  	_ = 	snop  }
0x3f: {  	[tilespmem:s7], [sflag:$0x1] =	stream.linear.gather [hbm4b:s6+s2], $0x80, $0x38;
	[tilespmem:$0x8200] =	vst v63  }
0x40: {  	_ = 	snop  }
0x41: {  	[tilespmem:s9], [sflag:$0x1] =	stream.linear.gather [hbm4b:s8+s2], $0x80, $0x38;
	[tilespmem:$0x8200] =	vst v63  }
0x42: {  	_ =	swait.ge [sflag:s10], $0x80  }
0x43: {  	[sflag:s10] =	ssyncset.done $0x0  }
0x44: {  	[sflag:s10] =	ssyncadd.s32 $0xFFFFFF80  }
0x45: {  	[tilespmem:s12], [sflag:$0x2] =	stream.indirect.gather [hbm4b:s11+s5], $0x40, s2, s5, $0xb8;
	[tilespmem:$0x8200] =	vst v63  }
0x46: {  	_ =	swait.ge [sflag:s10], $0x80  }
0x47: {  	[sflag:s10] =	ssyncset.done $0x0  }
0x48: {  	[sflag:s10] =	ssyncadd.s32 $0xFFFFFF80  }
0x49: {  	[tilespmem:s13], [sflag:$0x2] =	stream.indirect.gather [hbm4b:s11+s5], $0x40, s5, s5, $0xb8;
	[tilespmem:$0x8200] =	vst v63  }
0x4a: {  	_ =	swait.ge [sflag:s10], $0x80  }
0x4b: {  	[sflag:s10] =	ssyncset.done $0x0  }
0x4c: {  	[sflag:s10] =	ssyncadd.s32 $0xFFFFFF80  }
0x4d: {  	[tilespmem:s14], [sflag:$0x2] =	stream.indirect.gather [hbm4b:s11+s5], $0x40, s7, s5, $0xb8;
	[tilespmem:$0x8200] =	vst v63  }
0x4e: {  	_ =	swait.ge [sflag:s10], $0x80  }
0x4f: {  	[sflag:s10] =	ssyncset.done $0x0  }
0x50: {  	[sflag:s10] =	ssyncadd.s32 $0xFFFFFF80  }
0x51: {  	[tilespmem:s15], [sflag:$0x2] =	stream.indirect.gather [hbm4b:s11+s5], $0x40, s9, s5, $0xb8;
	[tilespmem:$0x8200] =	vst v63  }
0x52: {  	_ =	swait.ge [sflag:s16], $0x2000  }
0x53: {  	[sflag:s16] =	ssyncset.done $0x0  }
0x54: {  	[sflag:s16] =	ssyncadd.s32 $0xFFFFE000  }
0x55: {  	[hbm4b:s17+s2] =	stream.linear.scatter [tilespmem:s12], [sflag:$0x3], $0x2000, $0x38;
	[tilespmem:$0x8200] =	vst v63  }
0x56: {  	_ =	swait.ge [sflag:s16], $0x2000  }
0x57: {  	[sflag:s16] =	ssyncset.done $0x0  }
0x58: {  	[sflag:s16] =	ssyncadd.s32 $0xFFFFE000  }
0x59: {  	[hbm4b:s18+s2] =	stream.linear.scatter [tilespmem:s13], [sflag:$0x3], $0x2000, $0x38;
	[tilespmem:$0x8200] =	vst v63  }
0x5a: {  	_ =	swait.ge [sflag:s16], $0x2000  }
0x5b: {  	[sflag:s16] =	ssyncset.done $0x0  }
0x5c: {  	[sflag:s16] =	ssyncadd.s32 $0xFFFFE000  }
0x5d: {  	[hbm4b:s19+s2] =	stream.linear.scatter [tilespmem:s14], [sflag:$0x3], $0x2000, $0x38;
	[tilespmem:$0x8200] =	vst v63  }
0x5e: {  	_ =	swait.ge [sflag:s16], $0x2000  }
0x5f: {  	[sflag:s16] =	ssyncset.done $0x0  }
0x60: {  	[sflag:s16] =	ssyncadd.s32 $0xFFFFE000  }
0x61: {  	[hbm4b:s21+s2] =	stream.linear.scatter [tilespmem:s15], [sflag:$0x3], $0x2000, $0x38;
	[tilespmem:$0x8200] =	vst v63  }
0x62: {  	_ =	swait.ge [sflag:s20], $0x2000  }
0x63: {  	[sflag:s20] =	ssyncset.done $0x0  }
0x64: {  	[sflag:s20] =	ssyncadd.s32 $0xFFFFE000  }
0x65: {  	_ =	swait.ge [sflag:s20], $0x2000  }
0x66: {  	[sflag:s20] =	ssyncset.done $0x0  }
0x67: {  	[sflag:s20] =	ssyncadd.s32 $0xFFFFE000  }
.Ltmp1:
0x68: {  	_ =	swait.ge [sflag:s20], $0x2000;
	(pc) =	sbr.rel @p0 .LBB2_1-.Ltmp1, $4  }
0x69: {  	[sflag:s20] =	ssyncset.done $0x0  }
0x6a: {  	[sflag:s20] =	ssyncadd.s32 $0xFFFFE000  }
0x6b: {  	_ =	swait.ge [sflag:s20], $0x2000  }
0x6c: {  	[sflag:s20] =	ssyncset.done $0x0  }
.LBB2_2:
0x6d: {  	[sflag:s20] =	ssyncadd.s32 $0xFFFFE000  }
0x6e: {  	_ =	sfence.sel $0x180000  }
0x6f: {  	[bflag:$0x0] =	sbarrier.arrive $0xFFFF  }
0x70: {  	p0 =	sne.s32 s0, $0x0;
	_ =	strace $0x90000047  }
0x71: {  	s0 =	sadd.s32 @!p0 $0x100000, s1;
	[bflag:$0x2] =	sbarrier.arrive $0xFFFF  }
0x72: {  	[sflag:s0] =	ssyncadd.tile.s32 @!p0 $0x1;
	_ =	shalt  }
.Lfunc_end2:
_tile_overlayer_lowered:
.L_overlay_start_2:
0x73: {  	(tag) =	ssettag $0x2  }
0x74: {  	s0 =	rddreg [dreg:$0x0];
	s2 =	stileid.u32  }
0x75: {  	s1 =	rddreg [dreg:$0x1];
	p0 =	sne.s32 s2, $0x0  }
0x76: {  	s3 =	rddreg [dreg:$0x2];
	[bflag:$0x3] =	sbarrier.arrive $0xFFFF;
	s2 =	simm.s32 @!p0 $0x1C04  }
0x77: {  	[timem:s3], [sflag:s2] =	dma.local @!p0 [hbm:s0], s1  }
0x78: {  	s0 =	simm.s32 @!p0 $0x4  }
0x79: {  	_ =	swait.ge @!p0 [sflag:s0], s1  }
0x7a: {  	s1 =	ssub.s32 @!p0 $0x0, s1;
	[sflag:s0] =	ssyncset.done @!p0 $0x0  }
0x7b: {  	[sflag:s0] =	ssyncadd.s32 @!p0 s1  }
0x7c: {  	[bflag:$0x3] =	sbarrier.arrive $0xFFFF  }
0x7d: {  	_ =	shalt  }

</sc_bundles>
